<compile_context>
chip_gen: v7x
topology: tpu7x:2x2x1
jax: 0.10.2.dev20260603
libtpu: 0.0.44.dev20260713+nightly
codegen_flags: <defaults>
</compile_context>

<pallas_src>
import functools

import jax
import jax.numpy as jnp
from jax import lax
from jax.experimental import pallas as pl
from jax.experimental.pallas import tpu as pltpu
from jax.experimental.pallas import tpu_sc as plsc

NUM_CODES = 8192
DIM = 256
N_TOKENS = 8192
COMMIT = 0.25


_BN = 2048
_BK = 1024
_KB = NUM_CODES // _BK
_NB = N_TOKENS // _BN


def _fused_body(x_ref, e_ref, idx_ref, enc_ref, loss_ref,
                minv_ref, colf_ref, coli_ref, idxp_ref):
    i = pl.program_id(0)
    j = pl.program_id(1)

    @pl.when(jnp.logical_and(i == 0, j == 0))
    def _():
        it = lax.broadcasted_iota(jnp.int32, (8, _BK), 1)
        coli_ref[...] = it
        colf_ref[...] = it.astype(jnp.float32)

    @pl.when(i > 0)
    def _():
        idx_adj = idxp_ref[...] - j * _BK
        eq = coli_ref[0:1, :] == idx_adj
        enc_ref[...] = jnp.where(eq, jnp.float32(1.0), jnp.float32(0.0))

    x = x_ref[...]
    e = e_ref[...]
    en = jnp.sum(e * e, axis=1)
    e2 = -2.0 * e
    mm2 = lax.dot_general(x, e2, (((1,), (1,)), ((), ())),
                          preferred_element_type=jnp.float32)
    xn = jnp.sum(x * x, axis=1, keepdims=True)
    dist = (xn + en[None, :]) + mm2
    m = jnp.min(dist, axis=1, keepdims=True)
    rowf = jnp.min(
        jnp.where(dist == m, colf_ref[0:1, :], jnp.float32(_BK)),
        axis=1, keepdims=True)
    lidx = rowf.astype(jnp.int32) + j * _BK

    @pl.when(j == 0)
    def _():
        minv_ref[...] = m
        idx_ref[...] = lidx

    @pl.when(j != 0)
    def _():
        better = m < minv_ref[...]
        idx_ref[...] = jnp.where(better, lidx, idx_ref[...])
        minv_ref[...] = jnp.where(better, m, minv_ref[...])

    @pl.when(j == _KB - 1)
    def _():
        idxp_ref[...] = idx_ref[...]
        s = jnp.sum(minv_ref[...])

        @pl.when(i == 0)
        def _():
            loss_ref[0, 0] = s

        @pl.when(i != 0)
        def _():
            loss_ref[0, 0] += s


def _run_fused(flat_x, emb):
    return pl.pallas_call(
        _fused_body,
        grid=(_NB, _KB),
        in_specs=[
            pl.BlockSpec((_BN, DIM), lambda i, j: (i, 0)),
            pl.BlockSpec((_BK, DIM), lambda i, j: (j, 0)),
        ],
        out_specs=[
            pl.BlockSpec((_BN, 1), lambda i, j: (i, 0)),
            pl.BlockSpec((_BN, _BK),
                         lambda i, j: (jnp.maximum(i - 1, 0),
                                       jnp.where(i == 0, 0, j))),
            pl.BlockSpec(memory_space=pltpu.SMEM),
        ],
        out_shape=[
            jax.ShapeDtypeStruct((N_TOKENS, 1), jnp.int32),
            jax.ShapeDtypeStruct((N_TOKENS, NUM_CODES), jnp.float32),
            jax.ShapeDtypeStruct((1, 1), jnp.float32),
        ],
        scratch_shapes=[
            pltpu.VMEM((_BN, 1), jnp.float32),
            pltpu.VMEM((8, _BK), jnp.float32),
            pltpu.VMEM((8, _BK), jnp.int32),
            pltpu.VMEM((_BN, 1), jnp.int32),
        ],
    )(flat_x, emb)




def _enc_last_body(dummy_ref, idx_ref, enc_ref, coli_ref):
    j = pl.program_id(0)
    del dummy_ref

    @pl.when(j == 0)
    def _():
        coli_ref[...] = lax.broadcasted_iota(jnp.int32, (8, _BK), 1)

    idx_adj = idx_ref[...] - j * _BK
    eq = coli_ref[0:1, :] == idx_adj
    enc_ref[...] = jnp.where(eq, jnp.float32(1.0), jnp.float32(0.0))


def _run_enc_last(enc_part, idx2d):
    return pl.pallas_call(
        _enc_last_body,
        grid=(_KB,),
        in_specs=[
            pl.BlockSpec((8, 128), lambda j: (0, 0)),
            pl.BlockSpec((_BN, 1), lambda j: (_NB - 1, 0)),
        ],
        out_specs=pl.BlockSpec((_BN, _BK), lambda j: (_NB - 1, j)),
        out_shape=jax.ShapeDtypeStruct((N_TOKENS, NUM_CODES), jnp.float32),
        scratch_shapes=[pltpu.VMEM((8, _BK), jnp.int32)],
        input_output_aliases={0: 0},
    )(enc_part, idx2d)




def _make_sc_gather():
    info = plsc.get_sparse_core_info()
    nc, ns = info.num_cores, info.num_subcores
    nw = nc * ns
    b_per_w = N_TOKENS // nw
    ch = 128
    nchunks = b_per_w // ch
    mesh = plsc.VectorSubcoreMesh(core_axis_name="c", subcore_axis_name="s")

    @functools.partial(
        pl.kernel,
        mesh=mesh,
        out_type=jax.ShapeDtypeStruct((N_TOKENS, DIM), jnp.float32),
        scratch_types=[
            pltpu.VMEM((ch,), jnp.int32),
            pltpu.VMEM((ch,), jnp.int32),
            pltpu.VMEM((ch, DIM), jnp.float32),
            pltpu.VMEM((ch, DIM), jnp.float32),
            pltpu.SemaphoreType.DMA,
            pltpu.SemaphoreType.DMA,
        ],
    )
    def sc_gather(table_hbm, idx_hbm, out_hbm,
                  idx_v0, idx_v1, rows_v0, rows_v1, sem0, sem1):
        wid = lax.axis_index("s") * nc + lax.axis_index("c")
        base = wid * b_per_w
        assert nchunks == 2
        pltpu.sync_copy(idx_hbm.at[pl.ds(base, ch)], idx_v0)
        pltpu.sync_copy(idx_hbm.at[pl.ds(base + ch, ch)], idx_v1)
        cp0 = pltpu.async_copy(table_hbm.at[idx_v0], rows_v0, sem0)
        cp1 = pltpu.async_copy(table_hbm.at[idx_v1], rows_v1, sem1)
        cp0.wait()
        st0 = pltpu.async_copy(rows_v0, out_hbm.at[pl.ds(base, ch)], sem0)
        cp1.wait()
        st1 = pltpu.async_copy(rows_v1, out_hbm.at[pl.ds(base + ch, ch)], sem1)
        st0.wait()
        st1.wait()

    return sc_gather


_sc_gather = None

def kernel(inputs, embedding_weight):
    global _sc_gather
    if _sc_gather is None:
        _sc_gather = _make_sc_gather()
    seqlen, bs, d = inputs.shape
    flat = inputs.reshape(-1, d)
    idx2d, enc_part, loss_sum = _run_fused(flat, embedding_weight)
    q_flat = _sc_gather(embedding_weight, idx2d.reshape(-1))
    encodings = _run_enc_last(enc_part, idx2d)
    loss = COMMIT * (loss_sum[0, 0] / jnp.float32(N_TOKENS * DIM))
    return (
        loss,
        q_flat.reshape(seqlen, bs, d),
        encodings.reshape(seqlen, bs, NUM_CODES),
        idx2d,
    )

# --- scband reference (transcript-rebuilt; emitter-appended) ---
"""Pipeline reference for scband-vector-quantizer-ema-84799834292275 (READ-ONLY COPY).

The authoritative reference and input builder live on the scoring server;
editing this copy changes nothing except your own understanding.
"""

import jax, jax.numpy as jnp
import numpy as np

NUM_EMBEDDINGS = 8192
EMBEDDING_DIM = 256
COMMITMENT_COST = 0.25


def setup_inputs(seed: int = 0) -> dict:
    key = jax.random.key(seed)
    k1, k2 = jax.random.split(key)
    inputs = jax.random.normal(k1, (512, 16, EMBEDDING_DIM), dtype=jnp.float32)
    # learned codebook (nn.Embedding weight, init normal_())
    embedding_weight = jax.random.normal(k2, (NUM_EMBEDDINGS, EMBEDDING_DIM), dtype=jnp.float32)
    return {"inputs": inputs, "embedding_weight": embedding_weight}


def reference(inputs, embedding_weight):
    seqlen, bs, d = inputs.shape
    flat_input = inputs.reshape(-1, d)
    # squared L2 distances to every codebook entry
    distances = (
        jnp.sum(flat_input ** 2, axis=1, keepdims=True)
        + jnp.sum(embedding_weight ** 2, axis=1)
        - 2.0 * jnp.matmul(flat_input, embedding_weight.T)
    )
    encoding_indices = jnp.argmin(distances, axis=1)
    encodings = jax.nn.one_hot(encoding_indices, NUM_EMBEDDINGS, dtype=jnp.float32)
    quantized = jnp.matmul(encodings, embedding_weight).reshape(seqlen, bs, d)
    encodings_flat = encodings.reshape(seqlen, bs, -1)
    # eval mode: no EMA buffer updates
    e_latent_loss = jnp.mean((jax.lax.stop_gradient(quantized) - inputs) ** 2)
    loss = COMMITMENT_COST * e_latent_loss
    quantized_st = inputs + jax.lax.stop_gradient(quantized - inputs)
    return (loss, quantized_st, encodings_flat, encoding_indices[:, None])

if __name__ == "__main__":
    import jax
    _d = setup_inputs()
    print(jax.jit(kernel)(*tuple(_d.values())))

</pallas_src>

<mosaic_0001>
#map = affine_map<(d0, d1) -> (0, 0)>
#map1 = affine_map<(d0, d1) -> (0)>
module attributes {stable_mosaic.version = 14 : i64} {
  func.func @sc_gather(%arg0: i32, %arg1: i32, %arg2: memref<8192x256xf32, #tpu.memory_space<hbm>>, %arg3: memref<8192xi32, #tpu.memory_space<hbm>>, %arg4: memref<8192x256xf32, #tpu.memory_space<hbm>>, %arg5: memref<128xi32, #tpu.memory_space<vmem>>, %arg6: memref<128xi32, #tpu.memory_space<vmem>>, %arg7: memref<128x256xf32, #tpu.memory_space<vmem>>, %arg8: memref<128x256xf32, #tpu.memory_space<vmem>>, %arg9: memref<!tpu.dma_semaphore, #tpu.memory_space<semaphore_mem>>, %arg10: memref<!tpu.dma_semaphore, #tpu.memory_space<semaphore_mem>>) attributes {dimension_semantics = [#tpu.dimension_semantics<core_parallel>, #tpu.dimension_semantics<subcore_parallel>], iteration_bounds = array<i64: 2, 16>, scalar_prefetch = 0 : i64, scratch_operands = 6 : i64, tpu.core_type = #tpu.core_type<sc_vector_subcore>, window_params = [{transform_indices = #map}, {transform_indices = #map1}, {transform_indices = #map}]} {
    %mul3A = arith.constant 2 : i32
    %mul3A_0 = arith.muli %arg1, %mul3A : i32
    %add3A = arith.addi %mul3A_0, %arg0 : i32
    %mul3A_1 = arith.constant 256 : i32
    %mul3A_2 = arith.muli %add3A, %mul3A_1 : i32
    "tpu.region"() ({
      %run_scoped3A = tpu.sem_alloc : memref<!tpu.dma_semaphore, #tpu.memory_space<semaphore_mem>>
      %dma_start3A_33 = tpu.memref_slice %arg3[%mul3A_2] : memref<8192xi32, #tpu.memory_space<hbm>> -> memref<128xi32, #tpu.memory_space<hbm>>
      %dma_start3A_34 = tpu.memref_slice %arg3[%mul3A_2] : memref<8192xi32, #tpu.memory_space<hbm>> -> memref<128xi32, #tpu.memory_space<hbm>>
      tpu.enqueue_dma source(%dma_start3A_34 : memref<128xi32, #tpu.memory_space<hbm>>) target(%arg5 : memref<128xi32, #tpu.memory_space<vmem>>) target_semaphore(%run_scoped3A : memref<!tpu.dma_semaphore, #tpu.memory_space<semaphore_mem>>)
      %dma_wait3A_35 = tpu.memref_slice %arg3[%mul3A_2] : memref<8192xi32, #tpu.memory_space<hbm>> -> memref<128xi32, #tpu.memory_space<hbm>>
      %dma_wait3A_36 = tpu.memref_slice %arg3[%mul3A_2] : memref<8192xi32, #tpu.memory_space<hbm>> -> memref<128xi32, #tpu.memory_space<hbm>>
      tpu.wait_dma2 semaphore(%run_scoped3A : memref<!tpu.dma_semaphore, #tpu.memory_space<semaphore_mem>>) src(%dma_wait3A_36 : memref<128xi32, #tpu.memory_space<hbm>>) dst(%arg5 : memref<128xi32, #tpu.memory_space<vmem>>)
      tpu.yield
    }) : () -> ()
    %add3A_3 = arith.constant 128 : i32
    %add3A_4 = arith.addi %mul3A_2, %add3A_3 : i32
    "tpu.region"() ({
      %run_scoped3A = tpu.sem_alloc : memref<!tpu.dma_semaphore, #tpu.memory_space<semaphore_mem>>
      %dma_start3A_33 = tpu.memref_slice %arg3[%add3A_4] : memref<8192xi32, #tpu.memory_space<hbm>> -> memref<128xi32, #tpu.memory_space<hbm>>
      %dma_start3A_34 = tpu.memref_slice %arg3[%add3A_4] : memref<8192xi32, #tpu.memory_space<hbm>> -> memref<128xi32, #tpu.memory_space<hbm>>
      tpu.enqueue_dma source(%dma_start3A_34 : memref<128xi32, #tpu.memory_space<hbm>>) target(%arg6 : memref<128xi32, #tpu.memory_space<vmem>>) target_semaphore(%run_scoped3A : memref<!tpu.dma_semaphore, #tpu.memory_space<semaphore_mem>>)
      %dma_wait3A_35 = tpu.memref_slice %arg3[%add3A_4] : memref<8192xi32, #tpu.memory_space<hbm>> -> memref<128xi32, #tpu.memory_space<hbm>>
      %dma_wait3A_36 = tpu.memref_slice %arg3[%add3A_4] : memref<8192xi32, #tpu.memory_space<hbm>> -> memref<128xi32, #tpu.memory_space<hbm>>
      tpu.wait_dma2 semaphore(%run_scoped3A : memref<!tpu.dma_semaphore, #tpu.memory_space<semaphore_mem>>) src(%dma_wait3A_36 : memref<128xi32, #tpu.memory_space<hbm>>) dst(%arg6 : memref<128xi32, #tpu.memory_space<vmem>>)
      tpu.yield
    }) : () -> ()
    %dma_start3A = arith.constant 0 : i32
    %dma_start3A_5 = arith.constant 0 : i32
    %dma_start3A_6 = tpu.memref_slice %arg2[%dma_start3A, %dma_start3A_5] : memref<8192x256xf32, #tpu.memory_space<hbm>> -> memref<8192x256xf32, #tpu.memory_space<hbm>>
    tpu.enqueue_indirect_dma source(%dma_start3A_6 : memref<8192x256xf32, #tpu.memory_space<hbm>>) target(%arg7 : memref<128x256xf32, #tpu.memory_space<vmem>>) offsets(%arg5 : memref<128xi32, #tpu.memory_space<vmem>>) semaphore(%arg9 : memref<!tpu.dma_semaphore, #tpu.memory_space<semaphore_mem>>)
    %dma_start3A_7 = arith.constant 0 : i32
    %dma_start3A_8 = arith.constant 0 : i32
    %dma_start3A_9 = tpu.memref_slice %arg2[%dma_start3A_7, %dma_start3A_8] : memref<8192x256xf32, #tpu.memory_space<hbm>> -> memref<8192x256xf32, #tpu.memory_space<hbm>>
    tpu.enqueue_indirect_dma source(%dma_start3A_9 : memref<8192x256xf32, #tpu.memory_space<hbm>>) target(%arg8 : memref<128x256xf32, #tpu.memory_space<vmem>>) offsets(%arg6 : memref<128xi32, #tpu.memory_space<vmem>>) semaphore(%arg10 : memref<!tpu.dma_semaphore, #tpu.memory_space<semaphore_mem>>)
    %dma_wait3A = arith.constant 0 : i32
    %dma_wait3A_10 = arith.constant 0 : i32
    %dma_wait3A_11 = tpu.memref_slice %arg2[%dma_wait3A, %dma_wait3A_10] : memref<8192x256xf32, #tpu.memory_space<hbm>> -> memref<8192x256xf32, #tpu.memory_space<hbm>>
    tpu.wait_indirect_dma semaphore(%arg9 : memref<!tpu.dma_semaphore, #tpu.memory_space<semaphore_mem>>) src(%dma_wait3A_11 : memref<8192x256xf32, #tpu.memory_space<hbm>>) dst(%arg7 : memref<128x256xf32, #tpu.memory_space<vmem>>)
    %dma_start3A_12 = arith.constant 0 : i32
    %dma_start3A_13 = tpu.memref_slice %arg4[%mul3A_2, %dma_start3A_12] : memref<8192x256xf32, #tpu.memory_space<hbm>> -> memref<128x256xf32, #tpu.memory_space<hbm>>
    %dma_start3A_14 = arith.constant 0 : i32
    %dma_start3A_15 = tpu.memref_slice %arg4[%mul3A_2, %dma_start3A_14] : memref<8192x256xf32, #tpu.memory_space<hbm>> -> memref<128x256xf32, #tpu.memory_space<hbm>>
    tpu.enqueue_dma source(%arg7 : memref<128x256xf32, #tpu.memory_space<vmem>>) target(%dma_start3A_15 : memref<128x256xf32, #tpu.memory_space<hbm>>) target_semaphore(%arg9 : memref<!tpu.dma_semaphore, #tpu.memory_space<semaphore_mem>>)
    %dma_wait3A_16 = arith.constant 0 : i32
    %dma_wait3A_17 = arith.constant 0 : i32
    %dma_wait3A_18 = tpu.memref_slice %arg2[%dma_wait3A_16, %dma_wait3A_17] : memref<8192x256xf32, #tpu.memory_space<hbm>> -> memref<8192x256xf32, #tpu.memory_space<hbm>>
    tpu.wait_indirect_dma semaphore(%arg10 : memref<!tpu.dma_semaphore, #tpu.memory_space<semaphore_mem>>) src(%dma_wait3A_18 : memref<8192x256xf32, #tpu.memory_space<hbm>>) dst(%arg8 : memref<128x256xf32, #tpu.memory_space<vmem>>)
    %add3A_19 = arith.constant 128 : i32
    %add3A_20 = arith.addi %mul3A_2, %add3A_19 : i32
    %dma_start3A_21 = arith.constant 0 : i32
    %dma_start3A_22 = tpu.memref_slice %arg4[%add3A_20, %dma_start3A_21] : memref<8192x256xf32, #tpu.memory_space<hbm>> -> memref<128x256xf32, #tpu.memory_space<hbm>>
    %dma_start3A_23 = arith.constant 0 : i32
    %dma_start3A_24 = tpu.memref_slice %arg4[%add3A_20, %dma_start3A_23] : memref<8192x256xf32, #tpu.memory_space<hbm>> -> memref<128x256xf32, #tpu.memory_space<hbm>>
    tpu.enqueue_dma source(%arg8 : memref<128x256xf32, #tpu.memory_space<vmem>>) target(%dma_start3A_24 : memref<128x256xf32, #tpu.memory_space<hbm>>) target_semaphore(%arg10 : memref<!tpu.dma_semaphore, #tpu.memory_space<semaphore_mem>>)
    %dma_wait3A_25 = arith.constant 0 : i32
    %dma_wait3A_26 = tpu.memref_slice %arg4[%mul3A_2, %dma_wait3A_25] : memref<8192x256xf32, #tpu.memory_space<hbm>> -> memref<128x256xf32, #tpu.memory_space<hbm>>
    %dma_wait3A_27 = arith.constant 0 : i32
    %dma_wait3A_28 = tpu.memref_slice %arg4[%mul3A_2, %dma_wait3A_27] : memref<8192x256xf32, #tpu.memory_space<hbm>> -> memref<128x256xf32, #tpu.memory_space<hbm>>
    tpu.wait_dma2 semaphore(%arg9 : memref<!tpu.dma_semaphore, #tpu.memory_space<semaphore_mem>>) src(%arg7 : memref<128x256xf32, #tpu.memory_space<vmem>>) dst(%dma_wait3A_28 : memref<128x256xf32, #tpu.memory_space<hbm>>)
    %dma_wait3A_29 = arith.constant 0 : i32
    %dma_wait3A_30 = tpu.memref_slice %arg4[%add3A_20, %dma_wait3A_29] : memref<8192x256xf32, #tpu.memory_space<hbm>> -> memref<128x256xf32, #tpu.memory_space<hbm>>
    %dma_wait3A_31 = arith.constant 0 : i32
    %dma_wait3A_32 = tpu.memref_slice %arg4[%add3A_20, %dma_wait3A_31] : memref<8192x256xf32, #tpu.memory_space<hbm>> -> memref<128x256xf32, #tpu.memory_space<hbm>>
    tpu.wait_dma2 semaphore(%arg10 : memref<!tpu.dma_semaphore, #tpu.memory_space<semaphore_mem>>) src(%arg8 : memref<128x256xf32, #tpu.memory_space<vmem>>) dst(%dma_wait3A_32 : memref<128x256xf32, #tpu.memory_space<hbm>>)
    return
  }
}

module attributes {stable_mosaic.version = 14 : i64} {
  func.func @_enc_last_body(%arg0: i32, %arg1: memref<8x128xf32, #tpu.memory_space<vmem>>, %arg2: memref<2048x1xi32, #tpu.memory_space<vmem>>, %arg3: memref<2048x1024xf32, #tpu.memory_space<vmem>>, %arg4: memref<8x1024xi32, #tpu.memory_space<vmem>>) attributes {dimension_semantics = [#tpu.dimension_semantics<arbitrary>], iteration_bounds = array<i64: 8>, scalar_prefetch = 0 : i64, scratch_operands = 1 : i64, tpu.core_type = #tpu.core_type<tc>, window_params = [{transform_indices = @transform_0, window_bounds = array<i64: 8, 128>}, {transform_indices = @transform_1, window_bounds = array<i64: 2048, 1>}, {transform_indices = @transform_2, window_bounds = array<i64: 2048, 1024>}]} {
    %eq3A = arith.constant 0 : i32
    %eq3A_0 = arith.cmpi eq, %arg0, %eq3A : i32
    %convert_element_type3A = arith.extui %eq3A_0 : i1 to i32
    %cond3A = arith.constant 0 : i32
    %cond3A_1 = arith.cmpi ne, %convert_element_type3A, %cond3A : i32
    scf.if %cond3A_1 {
      %iota3A = tpu.iota {dimensions = array<i32: 1>} : vector<8x1024xi32>
      %swap3A_16 = arith.constant 0 : index
      %swap3A_17 = arith.constant 0 : index
      %swap3A_18 = vector.load %arg4[%swap3A_16, %swap3A_17] : memref<8x1024xi32, #tpu.memory_space<vmem>>, vector<8x1024xi32>
      tpu.vector_store %arg4[%swap3A_16, %swap3A_17], %iota3A {strides = array<i32>} : memref<8x1024xi32, #tpu.memory_space<vmem>>, vector<8x1024xi32>,
    } else {
    }
    %get3A = arith.constant 0 : index
    %get3A_2 = arith.constant 0 : index
    %get3A_3 = vector.load %arg2[%get3A, %get3A_2] : memref<2048x1xi32, #tpu.memory_space<vmem>>, vector<2048x1xi32>
    %mul3A = arith.constant 1024 : i32
    %mul3A_4 = arith.muli %arg0, %mul3A : i32
    %sub3A = vector.broadcast %mul3A_4 : i32 to vector<2048x1xi32>
    %sub3A_5 = arith.subi %get3A_3, %sub3A : vector<2048x1xi32>
    %get3A_6 = arith.constant 0 : index
    %get3A_7 = arith.constant 0 : index
    %get3A_8 = vector.load %arg4[%get3A_6, %get3A_7] : memref<8x1024xi32, #tpu.memory_space<vmem>>, vector<1x1024xi32>
    %eq3A_9 = vector.broadcast %get3A_8 : vector<1x1024xi32> to vector<2048x1024xi32>
    %eq3A_10 = vector.broadcast %sub3A_5 : vector<2048x1xi32> to vector<2048x1024xi32>
    %eq3A_11 = arith.cmpi eq, %eq3A_9, %eq3A_10 : vector<2048x1024xi32>
    %jit3A = arith.constant 1.000000e+00 : f32
    %jit3A_12 = arith.constant 0.000000e+00 : f32
    %broadcast_in_dim3A = vector.broadcast %jit3A : f32 to vector<2048x1024xf32>
    %broadcast_in_dim3A_13 = vector.broadcast %jit3A_12 : f32 to vector<2048x1024xf32>
    %select_n3A = arith.select %eq3A_11, %broadcast_in_dim3A, %broadcast_in_dim3A_13 : vector<2048x1024xi1>, vector<2048x1024xf32>
    %swap3A = arith.constant 0 : index
    %swap3A_14 = arith.constant 0 : index
    %swap3A_15 = vector.load %arg3[%swap3A, %swap3A_14] : memref<2048x1024xf32, #tpu.memory_space<vmem>>, vector<2048x1024xf32>
    tpu.vector_store %arg3[%swap3A, %swap3A_14], %select_n3A {strides = array<i32>} : memref<2048x1024xf32, #tpu.memory_space<vmem>>, vector<2048x1024xf32>,
    return
  }
  func.func @transform_0(%arg0: i32) -> (i32, i32) {
    %c0_i32 = arith.constant 0 : i32
    %c0_i32_0 = arith.constant 0 : i32
    %c0_i32_1 = arith.constant 0 : i32
    return %c0_i32, %c0_i32_0 : i32, i32
  }
  func.func @transform_1(%arg0: i32) -> (i32, i32) {
    %c3_i32 = arith.constant 3 : i32
    %c0_i32 = arith.constant 0 : i32
    %c0_i32_0 = arith.constant 0 : i32
    return %c3_i32, %c0_i32 : i32, i32
  }
  func.func @transform_2(%arg0: i32) -> (i32, i32) {
    %c3_i32 = arith.constant 3 : i32
    %c0_i32 = arith.constant 0 : i32
    return %c3_i32, %arg0 : i32, i32
  }
}

module attributes {stable_mosaic.version = 14 : i64} {
  func.func @_fused_body(%arg0: i32, %arg1: i32, %arg2: memref<2048x256xf32, #tpu.memory_space<vmem>>, %arg3: memref<1024x256xf32, #tpu.memory_space<vmem>>, %arg4: memref<2048x1xi32, #tpu.memory_space<vmem>>, %arg5: memref<2048x1024xf32, #tpu.memory_space<vmem>>, %arg6: memref<1x1xf32, #tpu.memory_space<smem>>, %arg7: memref<2048x1xf32, #tpu.memory_space<vmem>>, %arg8: memref<8x1024xf32, #tpu.memory_space<vmem>>, %arg9: memref<8x1024xi32, #tpu.memory_space<vmem>>, %arg10: memref<2048x1xi32, #tpu.memory_space<vmem>>) attributes {dimension_semantics = [#tpu.dimension_semantics<arbitrary>, #tpu.dimension_semantics<arbitrary>], iteration_bounds = array<i64: 4, 8>, scalar_prefetch = 0 : i64, scratch_operands = 4 : i64, tpu.core_type = #tpu.core_type<tc>, window_params = [{transform_indices = @transform_0, window_bounds = array<i64: 2048, 256>}, {transform_indices = @transform_1, window_bounds = array<i64: 1024, 256>}, {transform_indices = @transform_2, window_bounds = array<i64: 2048, 1>}, {transform_indices = @transform_3, window_bounds = array<i64: 2048, 1024>}, {transform_indices = @transform_4, window_bounds = array<i64: 1, 1>}]} {
    %eq3A = arith.constant 0 : i32
    %eq3A_0 = arith.cmpi eq, %arg0, %eq3A : i32
    %eq3A_1 = arith.constant 0 : i32
    %eq3A_2 = arith.cmpi eq, %arg1, %eq3A_1 : i32
    %and3A = arith.andi %eq3A_0, %eq3A_2 : i1
    %convert_element_type3A = arith.extui %and3A : i1 to i32
    %cond3A = arith.constant 0 : i32
    %cond3A_3 = arith.cmpi ne, %convert_element_type3A, %cond3A : i32
    scf.if %cond3A_3 {
      %iota3A = tpu.iota {dimensions = array<i32: 1>} : vector<8x1024xi32>
      %swap3A = arith.constant 0 : index
      %swap3A_57 = arith.constant 0 : index
      %swap3A_58 = vector.load %arg9[%swap3A, %swap3A_57] : memref<8x1024xi32, #tpu.memory_space<vmem>>, vector<8x1024xi32>
      tpu.vector_store %arg9[%swap3A, %swap3A_57], %iota3A {strides = array<i32>} : memref<8x1024xi32, #tpu.memory_space<vmem>>, vector<8x1024xi32>,
      %convert_element_type3A_59 = arith.sitofp %iota3A : vector<8x1024xi32> to vector<8x1024xf32>
      %swap3A_60 = arith.constant 0 : index
      %swap3A_61 = arith.constant 0 : index
      %swap3A_62 = vector.load %arg8[%swap3A_60, %swap3A_61] : memref<8x1024xf32, #tpu.memory_space<vmem>>, vector<8x1024xf32>
      tpu.vector_store %arg8[%swap3A_60, %swap3A_61], %convert_element_type3A_59 {strides = array<i32>} : memref<8x1024xf32, #tpu.memory_space<vmem>>, vector<8x1024xf32>,
    } else {
    }
    %gt3A = arith.constant 0 : i32
    %gt3A_4 = arith.cmpi sgt, %arg0, %gt3A : i32
    %convert_element_type3A_5 = arith.extui %gt3A_4 : i1 to i32
    %cond3A_6 = arith.constant 0 : i32
    %cond3A_7 = arith.cmpi ne, %convert_element_type3A_5, %cond3A_6 : i32
    scf.if %cond3A_7 {
      %get3A_57 = arith.constant 0 : index
      %get3A_58 = arith.constant 0 : index
      %get3A_59 = vector.load %arg10[%get3A_57, %get3A_58] : memref<2048x1xi32, #tpu.memory_space<vmem>>, vector<2048x1xi32>
      %mul3A_60 = arith.constant 1024 : i32
      %mul3A_61 = arith.muli %arg1, %mul3A_60 : i32
      %sub3A = vector.broadcast %mul3A_61 : i32 to vector<2048x1xi32>
      %sub3A_62 = arith.subi %get3A_59, %sub3A : vector<2048x1xi32>
      %get3A_63 = arith.constant 0 : index
      %get3A_64 = arith.constant 0 : index
      %get3A_65 = vector.load %arg9[%get3A_63, %get3A_64] : memref<8x1024xi32, #tpu.memory_space<vmem>>, vector<1x1024xi32>
      %eq3A_66 = vector.broadcast %get3A_65 : vector<1x1024xi32> to vector<2048x1024xi32>
      %eq3A_67 = vector.broadcast %sub3A_62 : vector<2048x1xi32> to vector<2048x1024xi32>
      %eq3A_68 = arith.cmpi eq, %eq3A_66, %eq3A_67 : vector<2048x1024xi32>
      %jit3A_69 = arith.constant 1.000000e+00 : f32
      %jit3A_70 = arith.constant 0.000000e+00 : f32
      %broadcast_in_dim3A_71 = vector.broadcast %jit3A_69 : f32 to vector<2048x1024xf32>
      %broadcast_in_dim3A_72 = vector.broadcast %jit3A_70 : f32 to vector<2048x1024xf32>
      %select_n3A_73 = arith.select %eq3A_68, %broadcast_in_dim3A_71, %broadcast_in_dim3A_72 : vector<2048x1024xi1>, vector<2048x1024xf32>
      %swap3A = arith.constant 0 : index
      %swap3A_74 = arith.constant 0 : index
      %swap3A_75 = vector.load %arg5[%swap3A, %swap3A_74] : memref<2048x1024xf32, #tpu.memory_space<vmem>>, vector<2048x1024xf32>
      tpu.vector_store %arg5[%swap3A, %swap3A_74], %select_n3A_73 {strides = array<i32>} : memref<2048x1024xf32, #tpu.memory_space<vmem>>, vector<2048x1024xf32>,
    } else {
    }
    %get3A = arith.constant 0 : index
    %get3A_8 = arith.constant 0 : index
    %get3A_9 = vector.load %arg2[%get3A, %get3A_8] : memref<2048x256xf32, #tpu.memory_space<vmem>>, vector<2048x256xf32>
    %get3A_10 = arith.constant 0 : index
    %get3A_11 = arith.constant 0 : index
    %get3A_12 = vector.load %arg3[%get3A_10, %get3A_11] : memref<1024x256xf32, #tpu.memory_space<vmem>>, vector<1024x256xf32>
    %mul3A = arith.mulf %get3A_12, %get3A_12 : vector<1024x256xf32>
    %reduce_sum3A = arith.constant dense<0.000000e+00> : vector<1024xf32>
    %reduce_sum3A_13 = vector.multi_reduction <add>, %mul3A, %reduce_sum3A [1] : vector<1024x256xf32> to vector<1024xf32>
    %mul3A_14 = arith.constant -2.000000e+00 : f32
    %mul3A_15 = vector.broadcast %mul3A_14 : f32 to vector<1024x256xf32>
    %mul3A_16 = arith.mulf %mul3A_15, %get3A_12 : vector<1024x256xf32>
    %dot_general3A = arith.constant dense<0.000000e+00> : vector<2048x1024xf32>
    %dot_general3A_17 = tpu.matmul %get3A_9, %mul3A_16, %dot_general3A {dimension_numbers = #tpu.dot_dimension_numbers<[1], [1], [0], [0], [0, 0, 1, 0], [], []>, transpose_lhs_hint = false} : vector<2048x256xf32>, vector<1024x256xf32>, vector<2048x1024xf32> -> vector<2048x1024xf32>
    %mul3A_18 = arith.mulf %get3A_9, %get3A_9 : vector<2048x256xf32>
    %reduce_sum3A_19 = arith.constant dense<0.000000e+00> : vector<2048xf32>
    %reduce_sum3A_20 = vector.multi_reduction <add>, %mul3A_18, %reduce_sum3A_19 [1] : vector<2048x256xf32> to vector<2048xf32>
    %broadcast_in_dim3A = vector.shape_cast %reduce_sum3A_20 : vector<2048xf32> to vector<2048x1xf32>
    %broadcast_in_dim3A_21 = vector.shape_cast %reduce_sum3A_13 : vector<1024xf32> to vector<1x1024xf32>
    %add3A = vector.broadcast %broadcast_in_dim3A : vector<2048x1xf32> to vector<2048x1024xf32>
    %add3A_22 = vector.broadcast %broadcast_in_dim3A_21 : vector<1x1024xf32> to vector<2048x1024xf32>
    %add3A_23 = arith.addf %add3A, %add3A_22 : vector<2048x1024xf32>
    %add3A_24 = arith.addf %add3A_23, %dot_general3A_17 : vector<2048x1024xf32>
    %reduce_min3A = arith.constant dense<0x7F800000> : vector<2048xf32>
    %reduce_min3A_25 = vector.multi_reduction <minimumf>, %add3A_24, %reduce_min3A [1] : vector<2048x1024xf32> to vector<2048xf32>
    %broadcast_in_dim3A_26 = vector.shape_cast %reduce_min3A_25 : vector<2048xf32> to vector<2048x1xf32>
    %eq3A_27 = vector.broadcast %broadcast_in_dim3A_26 : vector<2048x1xf32> to vector<2048x1024xf32>
    %eq3A_28 = arith.cmpf oeq, %add3A_24, %eq3A_27 : vector<2048x1024xf32>
    %get3A_29 = arith.constant 0 : index
    %get3A_30 = arith.constant 0 : index
    %get3A_31 = vector.load %arg8[%get3A_29, %get3A_30] : memref<8x1024xf32, #tpu.memory_space<vmem>>, vector<1x1024xf32>
    %jit3A = arith.constant 1.024000e+03 : f32
    %broadcast_in_dim3A_32 = vector.shape_cast %get3A_31 : vector<1x1024xf32> to vector<1x1024xf32>
    %broadcast_in_dim3A_33 = vector.broadcast %broadcast_in_dim3A_32 : vector<1x1024xf32> to vector<2048x1024xf32>
    %broadcast_in_dim3A_34 = vector.broadcast %jit3A : f32 to vector<2048x1024xf32>
    %select_n3A = arith.select %eq3A_28, %broadcast_in_dim3A_33, %broadcast_in_dim3A_34 : vector<2048x1024xi1>, vector<2048x1024xf32>
    %reduce_min3A_35 = arith.constant dense<0x7F800000> : vector<2048xf32>
    %reduce_min3A_36 = vector.multi_reduction <minimumf>, %select_n3A, %reduce_min3A_35 [1] : vector<2048x1024xf32> to vector<2048xf32>
    %broadcast_in_dim3A_37 = vector.shape_cast %reduce_min3A_36 : vector<2048xf32> to vector<2048x1xf32>
    %convert_element_type3A_38 = arith.fptosi %broadcast_in_dim3A_37 : vector<2048x1xf32> to vector<2048x1xi32>
    %mul3A_39 = arith.constant 1024 : i32
    %mul3A_40 = arith.muli %arg1, %mul3A_39 : i32
    %add3A_41 = vector.broadcast %mul3A_40 : i32 to vector<2048x1xi32>
    %add3A_42 = arith.addi %convert_element_type3A_38, %add3A_41 : vector<2048x1xi32>
    %eq3A_43 = arith.constant 0 : i32
    %eq3A_44 = arith.cmpi eq, %arg1, %eq3A_43 : i32
    %convert_element_type3A_45 = arith.extui %eq3A_44 : i1 to i32
    %cond3A_46 = arith.constant 0 : i32
    %cond3A_47 = arith.cmpi ne, %convert_element_type3A_45, %cond3A_46 : i32
    scf.if %cond3A_47 {
      %swap3A = arith.constant 0 : index
      %swap3A_57 = arith.constant 0 : index
      %swap3A_58 = vector.load %arg7[%swap3A, %swap3A_57] : memref<2048x1xf32, #tpu.memory_space<vmem>>, vector<2048x1xf32>
      tpu.vector_store %arg7[%swap3A, %swap3A_57], %broadcast_in_dim3A_26 {strides = array<i32>} : memref<2048x1xf32, #tpu.memory_space<vmem>>, vector<2048x1xf32>,
      %swap3A_59 = arith.constant 0 : index
      %swap3A_60 = arith.constant 0 : index
      %swap3A_61 = vector.load %arg4[%swap3A_59, %swap3A_60] : memref<2048x1xi32, #tpu.memory_space<vmem>>, vector<2048x1xi32>
      tpu.vector_store %arg4[%swap3A_59, %swap3A_60], %add3A_42 {strides = array<i32>} : memref<2048x1xi32, #tpu.memory_space<vmem>>, vector<2048x1xi32>,
    } else {
    }
    %ne3A = arith.constant 0 : i32
    %ne3A_48 = arith.cmpi ne, %arg1, %ne3A : i32
    %convert_element_type3A_49 = arith.extui %ne3A_48 : i1 to i32
    %cond3A_50 = arith.constant 0 : i32
    %cond3A_51 = arith.cmpi ne, %convert_element_type3A_49, %cond3A_50 : i32
    scf.if %cond3A_51 {
      %get3A_57 = arith.constant 0 : index
      %get3A_58 = arith.constant 0 : index
      %get3A_59 = vector.load %arg7[%get3A_57, %get3A_58] : memref<2048x1xf32, #tpu.memory_space<vmem>>, vector<2048x1xf32>
      %lt3A = arith.cmpf olt, %broadcast_in_dim3A_26, %get3A_59 : vector<2048x1xf32>
      %get3A_60 = arith.constant 0 : index
      %get3A_61 = arith.constant 0 : index
      %get3A_62 = vector.load %arg4[%get3A_60, %get3A_61] : memref<2048x1xi32, #tpu.memory_space<vmem>>, vector<2048x1xi32>
      %select_n3A_63 = arith.select %lt3A, %add3A_42, %get3A_62 : vector<2048x1xi1>, vector<2048x1xi32>
      %swap3A = arith.constant 0 : index
      %swap3A_64 = arith.constant 0 : index
      %swap3A_65 = vector.load %arg4[%swap3A, %swap3A_64] : memref<2048x1xi32, #tpu.memory_space<vmem>>, vector<2048x1xi32>
      tpu.vector_store %arg4[%swap3A, %swap3A_64], %select_n3A_63 {strides = array<i32>} : memref<2048x1xi32, #tpu.memory_space<vmem>>, vector<2048x1xi32>,
      %get3A_66 = arith.constant 0 : index
      %get3A_67 = arith.constant 0 : index
      %get3A_68 = vector.load %arg7[%get3A_66, %get3A_67] : memref<2048x1xf32, #tpu.memory_space<vmem>>, vector<2048x1xf32>
      %select_n3A_69 = arith.select %lt3A, %broadcast_in_dim3A_26, %get3A_68 : vector<2048x1xi1>, vector<2048x1xf32>
      %swap3A_70 = arith.constant 0 : index
      %swap3A_71 = arith.constant 0 : index
      %swap3A_72 = vector.load %arg7[%swap3A_70, %swap3A_71] : memref<2048x1xf32, #tpu.memory_space<vmem>>, vector<2048x1xf32>
      tpu.vector_store %arg7[%swap3A_70, %swap3A_71], %select_n3A_69 {strides = array<i32>} : memref<2048x1xf32, #tpu.memory_space<vmem>>, vector<2048x1xf32>,
    } else {
    }
    %eq3A_52 = arith.constant 7 : i32
    %eq3A_53 = arith.cmpi eq, %arg1, %eq3A_52 : i32
    %convert_element_type3A_54 = arith.extui %eq3A_53 : i1 to i32
    %cond3A_55 = arith.constant 0 : i32
    %cond3A_56 = arith.cmpi ne, %convert_element_type3A_54, %cond3A_55 : i32
    scf.if %cond3A_56 {
      %get3A_57 = arith.constant 0 : index
      %get3A_58 = arith.constant 0 : index
      %get3A_59 = vector.load %arg4[%get3A_57, %get3A_58] : memref<2048x1xi32, #tpu.memory_space<vmem>>, vector<2048x1xi32>
      %swap3A = arith.constant 0 : index
      %swap3A_60 = arith.constant 0 : index
      %swap3A_61 = vector.load %arg10[%swap3A, %swap3A_60] : memref<2048x1xi32, #tpu.memory_space<vmem>>, vector<2048x1xi32>
      tpu.vector_store %arg10[%swap3A, %swap3A_60], %get3A_59 {strides = array<i32>} : memref<2048x1xi32, #tpu.memory_space<vmem>>, vector<2048x1xi32>,
      %get3A_62 = arith.constant 0 : index
      %get3A_63 = arith.constant 0 : index
      %get3A_64 = vector.load %arg7[%get3A_62, %get3A_63] : memref<2048x1xf32, #tpu.memory_space<vmem>>, vector<2048x1xf32>
      %reduce_sum3A_65 = vector.shape_cast %get3A_64 : vector<2048x1xf32> to vector<1x2048x1xf32>
      %reduce_sum3A_66 = arith.constant dense<0.000000e+00> : vector<1xf32>
      %reduce_sum3A_67 = vector.multi_reduction <add>, %reduce_sum3A_65, %reduce_sum3A_66 [1, 2] : vector<1x2048x1xf32> to vector<1xf32>
      %reduce_sum3A_68 = vector.shape_cast %reduce_sum3A_67 : vector<1xf32> to vector<1x1x1xf32>
      %reduce_sum3A_69 = vector.extract %reduce_sum3A_68[0, 0, 0] : f32 from vector<1x1x1xf32>
      %eq3A_70 = arith.constant 0 : i32
      %eq3A_71 = arith.cmpi eq, %arg0, %eq3A_70 : i32
      %convert_element_type3A_72 = arith.extui %eq3A_71 : i1 to i32
      %cond3A_73 = arith.constant 0 : i32
      %cond3A_74 = arith.cmpi ne, %convert_element_type3A_72, %cond3A_73 : i32
      scf.if %cond3A_74 {
        %swap3A_80 = arith.constant 0 : index
        %swap3A_81 = arith.constant 0 : index
        %swap3A_82 = memref.load %arg6[%swap3A_80, %swap3A_81] : memref<1x1xf32, #tpu.memory_space<smem>>
        memref.store %reduce_sum3A_69, %arg6[%swap3A_80, %swap3A_81] : memref<1x1xf32, #tpu.memory_space<smem>>
      } else {
      }
      %ne3A_75 = arith.constant 0 : i32
      %ne3A_76 = arith.cmpi ne, %arg0, %ne3A_75 : i32
      %convert_element_type3A_77 = arith.extui %ne3A_76 : i1 to i32
      %cond3A_78 = arith.constant 0 : i32
      %cond3A_79 = arith.cmpi ne, %convert_element_type3A_77, %cond3A_78 : i32
      scf.if %cond3A_79 {
        %get3A_80 = arith.constant 0 : index
        %get3A_81 = arith.constant 0 : index
        %get3A_82 = memref.load %arg6[%get3A_80, %get3A_81] : memref<1x1xf32, #tpu.memory_space<smem>>
        %add3A_83 = arith.addf %get3A_82, %reduce_sum3A_69 : f32
        %swap3A_84 = arith.constant 0 : index
        %swap3A_85 = arith.constant 0 : index
        %swap3A_86 = memref.load %arg6[%swap3A_84, %swap3A_85] : memref<1x1xf32, #tpu.memory_space<smem>>
        memref.store %add3A_83, %arg6[%swap3A_84, %swap3A_85] : memref<1x1xf32, #tpu.memory_space<smem>>
      } else {
      }
    } else {
    }
    return
  }
  func.func @transform_0(%arg0: i32, %arg1: i32) -> (i32, i32) {
    %c0_i32 = arith.constant 0 : i32
    %c0_i32_0 = arith.constant 0 : i32
    return %arg0, %c0_i32 : i32, i32
  }
  func.func @transform_1(%arg0: i32, %arg1: i32) -> (i32, i32) {
    %c0_i32 = arith.constant 0 : i32
    %c0_i32_0 = arith.constant 0 : i32
    return %arg1, %c0_i32 : i32, i32
  }
  func.func @transform_2(%arg0: i32, %arg1: i32) -> (i32, i32) {
    %c0_i32 = arith.constant 0 : i32
    %c0_i32_0 = arith.constant 0 : i32
    return %arg0, %c0_i32 : i32, i32
  }
  func.func @transform_3(%arg0: i32, %arg1: i32) -> (i32, i32) {
    %sub3A = arith.constant 1 : i32
    %sub3A_0 = arith.subi %arg0, %sub3A : i32
    %max3A = arith.constant 0 : i32
    %max3A_1 = arith.maxsi %sub3A_0, %max3A : i32
    %eq3A = arith.constant 0 : i32
    %eq3A_2 = arith.cmpi eq, %arg0, %eq3A : i32
    %jit3A = arith.constant 0 : i32
    %select_n3A = arith.select %eq3A_2, %jit3A, %arg1 : i32
    %c0_i32 = arith.constant 0 : i32
    return %max3A_1, %select_n3A : i32, i32
  }
  func.func @transform_4(%arg0: i32, %arg1: i32) -> (i32, i32) {
    %c0_i32 = arith.constant 0 : i32
    %c0_i32_0 = arith.constant 0 : i32
    %c0_i32_1 = arith.constant 0 : i32
    return %c0_i32, %c0_i32_0 : i32, i32
  }
}

</mosaic_0001>

<sc_bundles>
// kernel: kernel.5.cloned.1.call-start
scs
__scs_entry_jumppad:
0x0: {  	(pc) =	sbr.rel $0x88, $3  }
0x1: {  	(tag) =	ssettag $0x0;
	lr =	simm.s32 $0x1  }
0x2: {  	[smem:$0x3F9F] =	sst lr;
	_ =	strace $0xD0000000  }
0x3: {  	_ = 	snop  }
0x4: {  	_ = 	snop  }
0x5: {  	_ = 	snop  }
0x6: {  	_ = 	snop  }
0x7: {  	_ = 	snop  }
__scs_overlays_trampoline_lowered:
0x8: {  	[smem:$0x3FAE] =	sst s0  }
0x9: {  	[smem:$0x3FAF] =	sst s1  }
0xa: {  	[smem:$0x3FB0] =	sst s2  }
0xb: {  	[smem:$0x3FB1] =	sst s3  }
0xc: {  	[smem:$0x3FB2] =	sst s4  }
0xd: {  	[smem:$0x3FB3] =	sst s5  }
0xe: {  	[smem:$0x3FB4] =	sst s6  }
0xf: {  	[smem:$0x3FB5] =	sst s7  }
0x10: {  	[smem:$0x3FB6] =	sst s8  }
0x11: {  	[smem:$0x3FB7] =	sst s9;
	s0 =	simm.s32 @!p0 $0x0  }
0x12: {  	s1 =	sld [smem:$0x3F9D];
	s0 =	simm.s32 @p0 $0x1  }
0x13: {  	[smem:$0x3FB8] =	sst s0;
	s0 =	simm.s32 @!p1 $0x0  }
0x14: {  	s2 =	sld [smem:$0x3F9C];
	s0 =	simm.s32 @p1 $0x1  }
0x15: {  	[smem:$0x3FB9] =	sst s0;
	s0 =	simm.s32 @!p2 $0x0  }
0x16: {  	s3 =	sld [smem:$0x3FDB];
	s0 =	simm.s32 @p2 $0x1  }
0x17: {  	s4 =	simm.s32 $0x1BF5;
	[smem:$0x3FBB] =	sst s0  }
0x18: {  	s0 =	sld [smem:$0x3F9E];
	_ =	swait.ge [sflag:s4], $0x0  }
0x19: {  	s7 =	sld [smem:$0x3F9F]  }
0x1a: {  	s8 =	sadd.s32 $0xFFFFE003, lr  }
0x1b: {  	s9 =	sadd.s32 $0xFFFFFEF7, lr;
	s5 =	simm.s32 $0xFFFFFFFF;
	p2 =	slt.u32 s8, $0xFFFFF086  }
0x1c: {  	p1 =	slt.u32 s9, $0xF7A;
	s5 =	simm.s32 @!p2 $0x0  }
0x1d: {  	s5 =	simm.s32 @p1 $0x1;
	p0 =	seq.s32 s7, s2  }
0x1e: {  	s7 =	smul.u32 @!p0 $0xF7A, s2;
	p2 =	seq.s32 @!p0 s5, $0x0  }
0x1f: {  	s9 =	smul.u32 $0xF7A, s1;
	s8 =	simm.s32 @!p0 $0x1BF5;
	p2 =	por !p2, p0  }
0x20: {  	[sflag:s8] =	ssyncset.s32 @!p0 $0xFFFFF086;
	s6 =	sadd.s32 @!p0 s3, s7;
	s7 =	simm.s32 @!p0 $0x108  }
0x21: {  	s3 =	sadd.s32 s3, s9;
	s6 =	sadd.s32 @!p0 $0x88, s6;
	s7 =	simm.s32 @p2 $0x1082  }
0x22: {  	[simem:s7], [sflag:s8] =	dma.local @!p0 [hbm:s6], $0xF7A  }
0x23: {  	s9 =	sor.u32 $0xD0000000, s2;
	s6 =	simm.s32 $0x108;
	_ =	swait.ge @!p0 [sflag:s8], $0x0  }
0x24: {  	s3 =	sadd.s32 $0x88, s3;
	s6 =	simm.s32 @!p1 $0x1082;
	[sflag:s4] =	ssyncset.s32 $0xFFFFF086  }
0x25: {  	[simem:s6], [sflag:s4] =	dma.local [hbm:s3], $0xF7A  }
0x26: {  	[smem:$0x3F9F] =	sst s1;
	(tag) =	ssettag s2;
	_ =	strace s9  }
0x27: {  	s1 =	sld [smem:$0x3FAF]  }
0x28: {  	s2 =	sld [smem:$0x3FB0]  }
0x29: {  	s4 =	sld [smem:$0x3FB2]  }
0x2a: {  	p0 =	seq.s32 s5, $0x0;
	s5 =	sld [smem:$0x3FB3]  }
0x2b: {  	s6 =	sld [smem:$0x3FB4]  }
0x2c: {  	s7 =	sld [smem:$0x3FB5]  }
0x2d: {  	s3 =	simm.s32 $0x108;
	s8 =	sld [smem:$0x3FB6]  }
0x2e: {  	s3 =	simm.s32 @!p0 $0x1082;
	s9 =	sld [smem:$0x3FB7]  }
0x2f: {  	lr =	sadd.s32 s0, s3;
	s0 =	sld [smem:$0x3FAE]  }
0x30: {  	s3 =	sld [smem:$0x3FB1]  }
0x31: {  	[smem:$0x3FBA] =	sst s10  }
0x32: {  	s10 =	sld [smem:$0x3FB8];
	_ =	sdelay $0x3  }
0x33: {  	p0 =	seq.s32 s10, $0x1;
	s10 =	sld [smem:$0x3FBA];
	_ =	sdelay $0x3  }
0x34: {  	[smem:$0x3FBA] =	sst s10  }
0x35: {  	s10 =	sld [smem:$0x3FB9];
	_ =	sdelay $0x3  }
0x36: {  	p1 =	seq.s32 s10, $0x1;
	s10 =	sld [smem:$0x3FBA];
	_ =	sdelay $0x3  }
0x37: {  	[smem:$0x3FBA] =	sst s10  }
0x38: {  	s10 =	sld [smem:$0x3FBB]  }
0x39: {  	_ = 	snop;
	(pc) =	sbr.ind lr, $3  }
0x3a: {  	_ = 	snop  }
0x3b: {  	_ = 	snop  }
0x3c: {  	p2 =	seq.s32 s10, $0x1;
	s10 =	sld [smem:$0x3FBA]  }
0x3d: {  	_ =	shalt  }
0x3e: {  	_ =	shalt  }
0x3f: {  	_ =	shalt  }
0x40: {  	_ =	shalt  }
0x41: {  	_ =	shalt  }
0x42: {  	_ =	shalt  }
0x43: {  	_ =	shalt  }
0x44: {  	_ =	shalt  }
0x45: {  	_ =	shalt  }
0x46: {  	_ =	shalt  }
0x47: {  	_ =	shalt  }
0x48: {  	_ =	shalt  }
0x49: {  	_ =	shalt  }
0x4a: {  	_ =	shalt  }
0x4b: {  	_ =	shalt  }
0x4c: {  	_ =	shalt  }
0x4d: {  	_ =	shalt  }
0x4e: {  	_ =	shalt  }
0x4f: {  	_ =	shalt  }
0x50: {  	_ =	shalt  }
0x51: {  	_ =	shalt  }
0x52: {  	_ =	shalt  }
0x53: {  	_ =	shalt  }
0x54: {  	_ =	shalt  }
0x55: {  	_ =	shalt  }
0x56: {  	_ =	shalt  }
0x57: {  	_ =	shalt  }
0x58: {  	_ =	shalt  }
0x59: {  	_ =	shalt  }
0x5a: {  	_ =	shalt  }
0x5b: {  	_ =	shalt  }
0x5c: {  	_ =	shalt  }
0x5d: {  	_ =	shalt  }
0x5e: {  	_ =	shalt  }
0x5f: {  	_ =	shalt  }
0x60: {  	_ =	shalt  }
0x61: {  	_ =	shalt  }
0x62: {  	_ =	shalt  }
0x63: {  	_ =	shalt  }
0x64: {  	_ =	shalt  }
0x65: {  	_ =	shalt  }
0x66: {  	_ =	shalt  }
0x67: {  	_ =	shalt  }
0x68: {  	_ =	shalt  }
0x69: {  	_ =	shalt  }
0x6a: {  	_ =	shalt  }
0x6b: {  	_ =	shalt  }
0x6c: {  	_ =	shalt  }
0x6d: {  	_ =	shalt  }
0x6e: {  	_ =	shalt  }
0x6f: {  	_ =	shalt  }
0x70: {  	_ =	shalt  }
0x71: {  	_ =	shalt  }
0x72: {  	_ =	shalt  }
0x73: {  	_ =	shalt  }
0x74: {  	_ =	shalt  }
0x75: {  	_ =	shalt  }
0x76: {  	_ =	shalt  }
0x77: {  	_ =	shalt  }
0x78: {  	_ =	shalt  }
0x79: {  	_ =	shalt  }
0x7a: {  	_ =	shalt  }
0x7b: {  	_ =	shalt  }
0x7c: {  	_ =	shalt  }
0x7d: {  	_ =	shalt  }
0x7e: {  	_ =	shalt  }
0x7f: {  	_ =	shalt  }
0x80: {  	_ =	shalt  }
0x81: {  	_ =	shalt  }
0x82: {  	_ =	shalt  }
0x83: {  	_ =	shalt  }
0x84: {  	_ =	shalt  }
0x85: {  	_ =	shalt  }
0x86: {  	_ =	shalt  }
0x87: {  	_ =	shalt  }
.Lfunc_end0:
.L_simem_size_0:
called_computation_lowered:
.L_overlay_start_0:
0x88: {  	s2 =	sld [smem:$0x3FD9]  }
0x89: {  	s3 =	sld [smem:$0x3FFE];
	_ =	sdelay $0x1  }
0x8a: {  	s1 =	srdreg.scid  }
0x8b: {  	s0 =	sand.u32 $0x1, s1  }
0x8c: {  	s14 =	sshll.u32 s0, $0xA;
	s2 =	sadd.s32 s3, s2  }
0x8d: {  	s2 =	sadd.s32 s2, s14  }
0x8e: {  	[smem:$0x3FC6] =	sst s2  }
0x8f: {  	_ = 	snop  }
0x90: {  	s2 =	sld [smem:$0x3FD0];
	_ =	sdelay $0x2  }
0x91: {  	s4 =	simm.s32 $0xA;
	s5 =	simm.s32 $0x10;
	s15 =	sld [smem:$0x3FC8]  }
0x92: {  	[smem:s5], [sflag:s4] =	dma.local [hbm:s2], $0x1  }
0x93: {  	_ =	swait.eq [sflag:s4], $0x1  }
0x94: {  	[sflag:s4] =	ssyncset.done $0x0  }
0x95: {  	[sflag:s4] =	ssyncadd.s32 $0xFFFFFFFF  }
0x96: {  	s16 =	sld [smem:$0x11];
	(tm) =	ssettm $0x1  }
0x97: {  	s17 =	sld [smem:$0x3FFB];
	_ =	sdelay $0x3  }
0x98: {  	_ =	strace s17  }
0x99: {  	s4 =	sld [smem:$0x3FFC];
	_ =	sdelay $0x3  }
0x9a: {  	_ =	strace s4  }
0x9b: {  	s4 =	sld [smem:$0x3FFD];
	_ =	sdelay $0x3  }
0x9c: {  	_ =	strace s4  }
0x9d: {  	_ =	strace $0x8FFFFFFF  }
0x9e: {  	s18 =	sld [smem:$0x3FDB];
	_ =	sdelay $0x1  }
0x9f: {  	s19 =	simm.s32 $_scs_section_size  }
0xa0: {  	s6 =	simm.s32 $_size__tile_overlayer_lowered;
	s7 =	simm.s32 $_tile_overlayer_lowered  }
0xa1: {  	s22 =	simm.s32 $0x1BFF;
	s21 =	sshll.u32 s7, $0x1;
	s4 =	sadd.s32 s19, s18  }
0xa2: {  	s8 =	simm.s32 $0x0;
	s20 =	sshll.u32 s6, $0x1;
	s6 =	sadd.s32 s21, s4  }
0xa3: {  	[timem:s8], [sflag:s22] =	dma.local [hbm:s6], s20  }
0xa4: {  	_ =	swait.ge [sflag:s22], s20  }
0xa5: {  	s5 =	ssub.s32 $0x0, s20;
	[sflag:s22] =	ssyncset.done $0x0  }
0xa6: {  	[sflag:s22] =	ssyncadd.s32 s5;
	_ =	sdelay $0x1  }
0xa7: {  	s23 =	simm.s32 $0x1B8B  }
0xa8: {  	_ =	swait.ge [sflag:s23], $0x1  }
0xa9: {  	[sflag:s23] =	ssyncset.done $0x0  }
0xaa: {  	s25 =	simm.s32 $0x1B8E;
	s24 =	sld [smem:$0x3FFE];
	[sflag:s23] =	ssyncadd.s32 $0xFFFFFFFF  }
0xab: {  	s26 =	simm.s32 $execute0_lowered;
	[smem:$0x3FD2] =	sst s25  }
0xac: {  	s6 =	sshll.u32 s26, $0x1;
	_ =	strace $0x80000046;
	[dreg:$0x1] =	wrdreg $0xFFFFFFFF  }
0xad: {  	s28 =	simm.s32 $_size_execute0_lowered;
	s4 =	sadd.s32 s4, s6;
	[dreg:$0x0] =	wrdreg $0x0  }
0xae: {  	s6 =	sshll.u32 s28, $0x1;
	[dreg:$0x2] =	wrdreg s4  }
0xaf: {  	[dreg:$0x3] =	wrdreg s6  }
0xb0: {  	[dreg:$0x4] =	wrdreg $0xC0  }
0xb1: {  	_ =	task [dreg:s8], $0x5FFFF  }
0xb2: {  	[dreg:$0x1] =	wrdreg $0xFFFFFFFF  }
0xb3: {  	[dreg:$0x0] =	wrdreg $0x60  }
0xb4: {  	[dreg:$0x2] =	wrdreg s15  }
0xb5: {  	[dreg:$0x3] =	wrdreg s24  }
0xb6: {  	[dreg:$0x4] =	wrdreg s16  }
0xb7: {  	[dreg:$0x5] =	wrdreg $0x9  }
0xb8: {  	_ =	task.clear_ibuf [dreg:s8], $0x6FFFF;
	_ =	strace $0x90000046  }
0xb9: {  	s29 =	simm.s32 $0x9;
	_ =	strace $0x80000048  }
0xba: {  	_ =	swait.ge [sflag:s29], $0x1  }
0xbb: {  	[sflag:s29] =	ssyncadd.s32 $0xFFFFFFFF  }
0xbc: {  	_ =	strace $0x90000048  }
0xbd: {  	_ =	sfence  }
0xbe: {  	s30 =	sld [smem:$0x0];
	_ =	sdelay $0x2  }
0xbf: {  	s31 =	sshll.u32 s1, $0xD;
	s1 =	sshrl.u32 s1, $0x2  }
0xc0: {  	s3 =	sand.u32 $0x4000, s31;
	s1 =	sadd.s32 s1, s30  }
0xc1: {  	s0 =	sor.u32 s3, s0;
	s1 =	sshll.u32 s1, $0x11  }
0xc2: {  	s0 =	sor.u32 s1, s0  }
0xc3: {  	s0 =	sadd.s32 $0x8F2B, s0  }
0xc4: {  	[sflag:s0] =	ssyncadd.remote.s32 $0x1  }
0xc5: {  	_ =	sfence.sel $0xFFFF  }
0xc6: {  	[dreg:$0x0] =	wrdreg $0xFFFFFFFF;
	(pc) =	sbr.abs _section_cstart, $3  }
0xc7: {  	[dreg:$0x1] =	wrdreg $0xFFFFFFFF  }
0xc8: {  	_ =	task.clear_ibuf [dreg:s8], $0x2FFFF;
	_ =	strace $0x9FFFFFFF  }
0xc9: {  	(tm) =	ssettm $0x7FFFFFFF  }
tec
execute0_lowered:
.L_overlay_start_1:
0x0: {  	(tag) =	ssettag $0x1  }
0x1: {  	s1 =	rddreg [dreg:$0x0]  }
0x2: {  	s0 =	rddreg [dreg:$0x1]  }
0x3: {  	s4 =	rddreg [dreg:$0x2]  }
0x4: {  	s3 =	srdreg.scid;
	s2 =	stileid.u32  }
0x5: {  	s17 =	simm.s32 $0x80;
	s18 =	simm.s32 $0x900;
	s19 =	simm.s32 $0x1100  }
0x6: {  	s20 =	simm.s32 $0x1900;
	s5 =	sand.u32 $0x1, s3;
	s3 =	simm.s32 $0x0  }
0x7: {  	s22 =	simm.s32 $0x2100;
	s23 =	simm.s32 $0x2900;
	[smem:$0x7FF] =	sst s3  }
0x8: {  	s24 =	simm.s32 $0x3100;
	_ =	strace $0x80000047;
	[dreg:$0x8] =	wrdreg s17  }
0x9: {  	s25 =	simm.s32 $0x3900;
	s26 =	simm.s32 $0x4100;
	[dreg:$0x9] =	wrdreg s18  }
0xa: {  	s10 =	simm.s32 $0x6100;
	s11 =	simm.s32 $0x6900;
	[dreg:$0xa] =	wrdreg s19  }
0xb: {  	s12 =	simm.s32 $0x7100;
	s13 =	simm.s32 $0x7900;
	[dreg:$0xb] =	wrdreg s20  }
0xc: {  	s28 =	simm.s32 $0xE900;
	s29 =	simm.s32 $0xF100;
	[dreg:$0xc] =	wrdreg s22  }
0xd: {  	s30 =	simm.s32 $0xF900;
	s31 =	simm.s32 $0x1;
	[dreg:$0xd] =	wrdreg s23  }
0xe: {  	s6 =	sshll.u32 s2, $0x9;
	s0 =	sadd.s32 $0x600, s0;
	[dreg:$0xe] =	wrdreg s24  }
0xf: {  	s7 =	sshll.u32 s5, $0x8;
	s21 =	ssub.s32 $0x2, s5;
	[dreg:$0xf] =	wrdreg s25  }
0x10: {  	s6 =	sor.u32 s7, s6;
	s5 =	sshrl.u32 s21, $0x1;
	[dreg:$0x10] =	wrdreg s26  }
0x11: {  	s17 =	simm.s32 $0x9900;
	s18 =	simm.s32 $0xA100;
	s19 =	simm.s32 $0xA900  }
0x12: {  	s20 =	simm.s32 $0xB100;
	s22 =	simm.s32 $0xC100;
	s23 =	simm.s32 $0xC900  }
0x13: {  	s24 =	simm.s32 $0xD100;
	s25 =	simm.s32 $0xD900;
	s26 =	simm.s32 $0xE100  }
0x14: {  	s7 =	sshrl.u32 s6, $0x3;
	s8 =	sor.u32 $0x80, s6;
	s6 =	sshll.u32 s6, $0x5  }
0x15: {  	s7 =	sadd.s32 s0, s7;
	s9 =	sshrl.u32 s8, $0x3;
	s14 =	sadd.s32 s4, s6  }
0x16: {  	s15 =	sshll.u32 s8, $0x5;
	s6 =	simm.s32 $0x100;
	[dreg:$0x4] =	wrdreg s7  }
0x17: {  	s8 =	simm.s32 $0x5100;
	s0 =	sadd.s32 s0, s9;
	[dreg:$0x6] =	wrdreg s14  }
0x18: {  	s16 =	sadd.s32 s4, s15;
	s4 =	ssub.s32 s21, s5;
	s5 =	simm.s32 $0x3  }
0x19: {  	v2 =	vlaneseq.u32;
	s9 =	simm.s32 $0x5900;
	s14 =	simm.s32 $0x8100;
	[dreg:$0x5] =	wrdreg s0  }
0x1a: {  	vm0 =	vmmov $0xffff;
	v1 =	vshrl.u32 v2, $0x3;
	s15 =	simm.s32 $0x8900;
	s21 =	simm.s32 $0xB900;
	[dreg:$0x7] =	wrdreg s16  }
0x1b: {  	v0 =	vand.u32 $0x7, v2;
	v2 =	vor.u32 $0x8, v2;
	v1 =	vmul.u32 $0x8, v1;
	s4 =	smax.u32 s4, $0x1;
	s16 =	simm.s32 $0x9100;
	s0 =	simm.s32 $0x2  }
.LBB2_1:
0x1c: {  	s2 =	rddreg [dreg:$0x4]  }
0x1d: {  	[tilespmem:s3], [sflag:$0x3] =	stream.linear.gather [hbm4b:s2+s3], $0x80, $0x38;
	[tilespmem:$0x10100] =	vst v63  }
0x1e: {  	_ =	swait.ge [sflag:s5], $0x80  }
0x1f: {  	s2 =	rddreg [dreg:$0x5];
	[sflag:s5] =	ssyncset.done $0x0  }
0x20: {  	s7 =	rddreg [dreg:$0x8];
	[sflag:s5] =	ssyncadd.s32 $0xFFFFFF80  }
0x21: {  	[tilespmem:s7], [sflag:$0x3] =	stream.linear.gather [hbm4b:s2+s3], $0x80, $0x38;
	[tilespmem:$0x10100] =	vst v63  }
0x22: {  	_ =	swait.ge [sflag:s5], $0x80  }
0x23: {  	[sflag:s5] =	ssyncset.done $0x0  }
0x24: {  	[sflag:s5] =	ssyncadd.s32 $0xFFFFFF80  }
0x25: {  	v3 =	vld [tilespmem:$0x0];
	_ =	sdelay $0x4  }
0x26: {  	v4 =	vshll.u32 v3, $0x1  }
0x27: {  	v3 =	vand.u32 $0x7, v3;
	v4 =	vand.u32 $0xFFFFFFF0, v4  }
0x28: {  	v3 =	vor.u32 v3, v4  }
0x29: {  	v4 =	vperm.xlane v3, v0;
	_ =	sdelay $0x1  }
0x2a: {  	v3 =	vperm.xlane v3, v2;
	v4 =	vadd.s32 v1, v4;
	_ =	sdelay $0x1  }
0x2b: {  	v3 =	vadd.s32 v1, v3;
	_ =	sdelay $0x2  }
0x2c: {  	[tilespmem:s6], [sflag:$0x1] =	stream.indirect_vreg.gather [hbm4b:s1+s3], $0x80, v4, vm0, $0xb8;
	[tilespmem:$0x10100] =	vst v63  }
0x2d: {  	s7 =	rddreg [dreg:$0x9]  }
0x2e: {  	[tilespmem:s7], [sflag:$0x1] =	stream.indirect_vreg.gather [hbm4b:s1+s3], $0x80, v3, vm0, $0xb8;
	[tilespmem:$0x10100] =	vst v63  }
0x2f: {  	v3 =	vld [tilespmem:$0x10];
	_ =	sdelay $0x4  }
0x30: {  	v49 =	vshll.u32 v3, $0x1  }
0x31: {  	v3 =	vand.u32 $0x7, v3;
	v4 =	vand.u32 $0xFFFFFFF0, v49  }
0x32: {  	v3 =	vor.u32 v3, v4  }
0x33: {  	v4 =	vperm.xlane v3, v0;
	_ =	sdelay $0x1  }
0x34: {  	v3 =	vperm.xlane v3, v2;
	v4 =	vadd.s32 v1, v4;
	_ =	sdelay $0x1  }
0x35: {  	v3 =	vadd.s32 v1, v3;
	_ =	sdelay $0x1  }
0x36: {  	s2 =	rddreg [dreg:$0xa]  }
0x37: {  	[tilespmem:s2], [sflag:$0x1] =	stream.indirect_vreg.gather [hbm4b:s1+s3], $0x80, v4, vm0, $0xb8;
	[tilespmem:$0x10100] =	vst v63  }
0x38: {  	s7 =	rddreg [dreg:$0xb]  }
0x39: {  	[tilespmem:s7], [sflag:$0x1] =	stream.indirect_vreg.gather [hbm4b:s1+s3], $0x80, v3, vm0, $0xb8;
	[tilespmem:$0x10100] =	vst v63  }
0x3a: {  	v3 =	vld [tilespmem:$0x20];
	_ =	sdelay $0x4  }
0x3b: {  	v50 =	vshll.u32 v3, $0x1  }
0x3c: {  	v3 =	vand.u32 $0x7, v3;
	v4 =	vand.u32 $0xFFFFFFF0, v50  }
0x3d: {  	v3 =	vor.u32 v3, v4  }
0x3e: {  	v4 =	vperm.xlane v3, v0;
	_ =	sdelay $0x1  }
0x3f: {  	v3 =	vperm.xlane v3, v2;
	v4 =	vadd.s32 v1, v4;
	_ =	sdelay $0x1  }
0x40: {  	v3 =	vadd.s32 v1, v3;
	_ =	sdelay $0x1  }
0x41: {  	s2 =	rddreg [dreg:$0xc]  }
0x42: {  	[tilespmem:s2], [sflag:$0x1] =	stream.indirect_vreg.gather [hbm4b:s1+s3], $0x80, v4, vm0, $0xb8;
	[tilespmem:$0x10100] =	vst v63  }
0x43: {  	s7 =	rddreg [dreg:$0xd]  }
0x44: {  	[tilespmem:s7], [sflag:$0x1] =	stream.indirect_vreg.gather [hbm4b:s1+s3], $0x80, v3, vm0, $0xb8;
	[tilespmem:$0x10100] =	vst v63  }
0x45: {  	v3 =	vld [tilespmem:$0x30];
	_ =	sdelay $0x4  }
0x46: {  	v51 =	vshll.u32 v3, $0x1  }
0x47: {  	v3 =	vand.u32 $0x7, v3;
	v4 =	vand.u32 $0xFFFFFFF0, v51  }
0x48: {  	v3 =	vor.u32 v3, v4  }
0x49: {  	v4 =	vperm.xlane v3, v0;
	_ =	sdelay $0x1  }
0x4a: {  	v3 =	vperm.xlane v3, v2;
	v4 =	vadd.s32 v1, v4;
	_ =	sdelay $0x1  }
0x4b: {  	v3 =	vadd.s32 v1, v3;
	_ =	sdelay $0x1  }
0x4c: {  	s2 =	rddreg [dreg:$0xe]  }
0x4d: {  	[tilespmem:s2], [sflag:$0x1] =	stream.indirect_vreg.gather [hbm4b:s1+s3], $0x80, v4, vm0, $0xb8;
	[tilespmem:$0x10100] =	vst v63  }
0x4e: {  	s7 =	rddreg [dreg:$0xf]  }
0x4f: {  	[tilespmem:s7], [sflag:$0x1] =	stream.indirect_vreg.gather [hbm4b:s1+s3], $0x80, v3, vm0, $0xb8;
	[tilespmem:$0x10100] =	vst v63  }
0x50: {  	v3 =	vld [tilespmem:$0x40];
	_ =	sdelay $0x4  }
0x51: {  	v52 =	vshll.u32 v3, $0x1  }
0x52: {  	v3 =	vand.u32 $0x7, v3;
	v4 =	vand.u32 $0xFFFFFFF0, v52  }
0x53: {  	v3 =	vor.u32 v3, v4  }
0x54: {  	v4 =	vperm.xlane v3, v0;
	_ =	sdelay $0x1  }
0x55: {  	v3 =	vperm.xlane v3, v2;
	v4 =	vadd.s32 v1, v4;
	_ =	sdelay $0x1  }
0x56: {  	v3 =	vadd.s32 v1, v3;
	_ =	sdelay $0x1  }
0x57: {  	s7 =	rddreg [dreg:$0x10]  }
0x58: {  	[tilespmem:s7], [sflag:$0x1] =	stream.indirect_vreg.gather [hbm4b:s1+s3], $0x80, v4, vm0, $0xb8;
	[tilespmem:$0x10100] =	vst v63  }
0x59: {  	s7 =	simm.s32 $0x4900  }
0x5a: {  	[tilespmem:s7], [sflag:$0x1] =	stream.indirect_vreg.gather [hbm4b:s1+s3], $0x80, v3, vm0, $0xb8;
	[tilespmem:$0x10100] =	vst v63  }
0x5b: {  	v3 =	vld [tilespmem:$0x50];
	_ =	sdelay $0x4  }
0x5c: {  	v53 =	vshll.u32 v3, $0x1  }
0x5d: {  	v3 =	vand.u32 $0x7, v3;
	v4 =	vand.u32 $0xFFFFFFF0, v53  }
0x5e: {  	v3 =	vor.u32 v3, v4  }
0x5f: {  	v4 =	vperm.xlane v3, v0;
	_ =	sdelay $0x1  }
0x60: {  	v3 =	vperm.xlane v3, v2;
	v4 =	vadd.s32 v1, v4;
	_ =	sdelay $0x1  }
0x61: {  	v3 =	vadd.s32 v1, v3;
	_ =	sdelay $0x2  }
0x62: {  	[tilespmem:s8], [sflag:$0x1] =	stream.indirect_vreg.gather [hbm4b:s1+s3], $0x80, v4, vm0, $0xb8;
	[tilespmem:$0x10100] =	vst v63  }
0x63: {  	_ = 	snop  }
0x64: {  	[tilespmem:s9], [sflag:$0x1] =	stream.indirect_vreg.gather [hbm4b:s1+s3], $0x80, v3, vm0, $0xb8;
	[tilespmem:$0x10100] =	vst v63  }
0x65: {  	v3 =	vld [tilespmem:$0x60];
	_ =	sdelay $0x4  }
0x66: {  	v54 =	vshll.u32 v3, $0x1  }
0x67: {  	v3 =	vand.u32 $0x7, v3;
	v4 =	vand.u32 $0xFFFFFFF0, v54  }
0x68: {  	v3 =	vor.u32 v3, v4  }
0x69: {  	v4 =	vperm.xlane v3, v0;
	_ =	sdelay $0x1  }
0x6a: {  	v3 =	vperm.xlane v3, v2;
	v4 =	vadd.s32 v1, v4;
	_ =	sdelay $0x1  }
0x6b: {  	v3 =	vadd.s32 v1, v3;
	_ =	sdelay $0x2  }
0x6c: {  	[tilespmem:s10], [sflag:$0x1] =	stream.indirect_vreg.gather [hbm4b:s1+s3], $0x80, v4, vm0, $0xb8;
	[tilespmem:$0x10100] =	vst v63  }
0x6d: {  	_ = 	snop  }
0x6e: {  	[tilespmem:s11], [sflag:$0x1] =	stream.indirect_vreg.gather [hbm4b:s1+s3], $0x80, v3, vm0, $0xb8;
	[tilespmem:$0x10100] =	vst v63  }
0x6f: {  	v3 =	vld [tilespmem:$0x70];
	_ =	sdelay $0x4  }
0x70: {  	v55 =	vshll.u32 v3, $0x1  }
0x71: {  	v3 =	vand.u32 $0x7, v3;
	v4 =	vand.u32 $0xFFFFFFF0, v55  }
0x72: {  	v3 =	vor.u32 v3, v4  }
0x73: {  	v4 =	vperm.xlane v3, v0;
	_ =	sdelay $0x1  }
0x74: {  	v3 =	vperm.xlane v3, v2;
	v4 =	vadd.s32 v1, v4;
	_ =	sdelay $0x1  }
0x75: {  	v3 =	vadd.s32 v1, v3;
	_ =	sdelay $0x2  }
0x76: {  	[tilespmem:s12], [sflag:$0x1] =	stream.indirect_vreg.gather [hbm4b:s1+s3], $0x80, v4, vm0, $0xb8;
	[tilespmem:$0x10100] =	vst v63  }
0x77: {  	_ = 	snop  }
0x78: {  	[tilespmem:s13], [sflag:$0x1] =	stream.indirect_vreg.gather [hbm4b:s1+s3], $0x80, v3, vm0, $0xb8;
	[tilespmem:$0x10100] =	vst v63  }
0x79: {  	v3 =	vld [tilespmem:$0x80];
	_ =	sdelay $0x4  }
0x7a: {  	v56 =	vshll.u32 v3, $0x1  }
0x7b: {  	v3 =	vand.u32 $0x7, v3;
	v4 =	vand.u32 $0xFFFFFFF0, v56  }
0x7c: {  	v3 =	vor.u32 v3, v4  }
0x7d: {  	v4 =	vperm.xlane v3, v0;
	_ =	sdelay $0x1  }
0x7e: {  	v3 =	vperm.xlane v3, v2;
	v4 =	vadd.s32 v1, v4;
	_ =	sdelay $0x1  }
0x7f: {  	v3 =	vadd.s32 v1, v3;
	_ =	sdelay $0x2  }
0x80: {  	[tilespmem:s14], [sflag:$0x2] =	stream.indirect_vreg.gather [hbm4b:s1+s3], $0x80, v4, vm0, $0xb8;
	[tilespmem:$0x10100] =	vst v63  }
0x81: {  	_ = 	snop  }
0x82: {  	[tilespmem:s15], [sflag:$0x2] =	stream.indirect_vreg.gather [hbm4b:s1+s3], $0x80, v3, vm0, $0xb8;
	[tilespmem:$0x10100] =	vst v63  }
0x83: {  	v3 =	vld [tilespmem:$0x90];
	_ =	sdelay $0x4  }
0x84: {  	v57 =	vshll.u32 v3, $0x1  }
0x85: {  	v3 =	vand.u32 $0x7, v3;
	v4 =	vand.u32 $0xFFFFFFF0, v57  }
0x86: {  	v3 =	vor.u32 v3, v4  }
0x87: {  	v4 =	vperm.xlane v3, v0;
	_ =	sdelay $0x1  }
0x88: {  	v3 =	vperm.xlane v3, v2;
	v4 =	vadd.s32 v1, v4;
	_ =	sdelay $0x1  }
0x89: {  	v3 =	vadd.s32 v1, v3;
	_ =	sdelay $0x2  }
0x8a: {  	[tilespmem:s16], [sflag:$0x2] =	stream.indirect_vreg.gather [hbm4b:s1+s3], $0x80, v4, vm0, $0xb8;
	[tilespmem:$0x10100] =	vst v63  }
0x8b: {  	_ = 	snop  }
0x8c: {  	[tilespmem:s17], [sflag:$0x2] =	stream.indirect_vreg.gather [hbm4b:s1+s3], $0x80, v3, vm0, $0xb8;
	[tilespmem:$0x10100] =	vst v63  }
0x8d: {  	v3 =	vld [tilespmem:$0xA0];
	_ =	sdelay $0x4  }
0x8e: {  	v58 =	vshll.u32 v3, $0x1  }
0x8f: {  	v3 =	vand.u32 $0x7, v3;
	v4 =	vand.u32 $0xFFFFFFF0, v58  }
0x90: {  	v3 =	vor.u32 v3, v4  }
0x91: {  	v4 =	vperm.xlane v3, v0;
	_ =	sdelay $0x1  }
0x92: {  	v3 =	vperm.xlane v3, v2;
	v4 =	vadd.s32 v1, v4;
	_ =	sdelay $0x1  }
0x93: {  	v3 =	vadd.s32 v1, v3;
	_ =	sdelay $0x2  }
0x94: {  	[tilespmem:s18], [sflag:$0x2] =	stream.indirect_vreg.gather [hbm4b:s1+s3], $0x80, v4, vm0, $0xb8;
	[tilespmem:$0x10100] =	vst v63  }
0x95: {  	_ = 	snop  }
0x96: {  	[tilespmem:s19], [sflag:$0x2] =	stream.indirect_vreg.gather [hbm4b:s1+s3], $0x80, v3, vm0, $0xb8;
	[tilespmem:$0x10100] =	vst v63  }
0x97: {  	v3 =	vld [tilespmem:$0xB0];
	_ =	sdelay $0x4  }
0x98: {  	v59 =	vshll.u32 v3, $0x1  }
0x99: {  	v3 =	vand.u32 $0x7, v3;
	v4 =	vand.u32 $0xFFFFFFF0, v59  }
0x9a: {  	v3 =	vor.u32 v3, v4  }
0x9b: {  	v4 =	vperm.xlane v3, v0;
	_ =	sdelay $0x1  }
0x9c: {  	v3 =	vperm.xlane v3, v2;
	v4 =	vadd.s32 v1, v4;
	_ =	sdelay $0x1  }
0x9d: {  	v3 =	vadd.s32 v1, v3;
	_ =	sdelay $0x2  }
0x9e: {  	[tilespmem:s20], [sflag:$0x2] =	stream.indirect_vreg.gather [hbm4b:s1+s3], $0x80, v4, vm0, $0xb8;
	[tilespmem:$0x10100] =	vst v63  }
0x9f: {  	_ = 	snop  }
0xa0: {  	[tilespmem:s21], [sflag:$0x2] =	stream.indirect_vreg.gather [hbm4b:s1+s3], $0x80, v3, vm0, $0xb8;
	[tilespmem:$0x10100] =	vst v63  }
0xa1: {  	v3 =	vld [tilespmem:$0xC0];
	_ =	sdelay $0x4  }
0xa2: {  	v60 =	vshll.u32 v3, $0x1  }
0xa3: {  	v3 =	vand.u32 $0x7, v3;
	v4 =	vand.u32 $0xFFFFFFF0, v60  }
0xa4: {  	v3 =	vor.u32 v3, v4  }
0xa5: {  	v4 =	vperm.xlane v3, v0;
	_ =	sdelay $0x1  }
0xa6: {  	v3 =	vperm.xlane v3, v2;
	v4 =	vadd.s32 v1, v4;
	_ =	sdelay $0x1  }
0xa7: {  	v3 =	vadd.s32 v1, v3;
	_ =	sdelay $0x2  }
0xa8: {  	[tilespmem:s22], [sflag:$0x2] =	stream.indirect_vreg.gather [hbm4b:s1+s3], $0x80, v4, vm0, $0xb8;
	[tilespmem:$0x10100] =	vst v63  }
0xa9: {  	_ = 	snop  }
0xaa: {  	[tilespmem:s23], [sflag:$0x2] =	stream.indirect_vreg.gather [hbm4b:s1+s3], $0x80, v3, vm0, $0xb8;
	[tilespmem:$0x10100] =	vst v63  }
0xab: {  	v3 =	vld [tilespmem:$0xD0];
	_ =	sdelay $0x4  }
0xac: {  	v61 =	vshll.u32 v3, $0x1  }
0xad: {  	v3 =	vand.u32 $0x7, v3;
	v4 =	vand.u32 $0xFFFFFFF0, v61  }
0xae: {  	v3 =	vor.u32 v3, v4  }
0xaf: {  	v4 =	vperm.xlane v3, v0;
	_ =	sdelay $0x1  }
0xb0: {  	v3 =	vperm.xlane v3, v2;
	v4 =	vadd.s32 v1, v4;
	_ =	sdelay $0x1  }
0xb1: {  	v3 =	vadd.s32 v1, v3;
	_ =	sdelay $0x2  }
0xb2: {  	[tilespmem:s24], [sflag:$0x2] =	stream.indirect_vreg.gather [hbm4b:s1+s3], $0x80, v4, vm0, $0xb8;
	[tilespmem:$0x10100] =	vst v63  }
0xb3: {  	_ = 	snop  }
0xb4: {  	[tilespmem:s25], [sflag:$0x2] =	stream.indirect_vreg.gather [hbm4b:s1+s3], $0x80, v3, vm0, $0xb8;
	[tilespmem:$0x10100] =	vst v63  }
0xb5: {  	v3 =	vld [tilespmem:$0xE0];
	_ =	sdelay $0x4  }
0xb6: {  	v62 =	vshll.u32 v3, $0x1  }
0xb7: {  	v3 =	vand.u32 $0x7, v3;
	v4 =	vand.u32 $0xFFFFFFF0, v62  }
0xb8: {  	v3 =	vor.u32 v3, v4  }
0xb9: {  	v4 =	vperm.xlane v3, v0;
	_ =	sdelay $0x1  }
0xba: {  	v3 =	vperm.xlane v3, v2;
	v4 =	vadd.s32 v1, v4;
	_ =	sdelay $0x1  }
0xbb: {  	v3 =	vadd.s32 v1, v3;
	_ =	sdelay $0x2  }
0xbc: {  	[tilespmem:s26], [sflag:$0x2] =	stream.indirect_vreg.gather [hbm4b:s1+s3], $0x80, v4, vm0, $0xb8;
	[tilespmem:$0x10100] =	vst v63  }
0xbd: {  	_ = 	snop  }
0xbe: {  	[tilespmem:s28], [sflag:$0x2] =	stream.indirect_vreg.gather [hbm4b:s1+s3], $0x80, v3, vm0, $0xb8;
	[tilespmem:$0x10100] =	vst v63  }
0xbf: {  	v3 =	vld [tilespmem:$0xF0];
	_ =	sdelay $0x4  }
0xc0: {  	v63 =	vshll.u32 v3, $0x1  }
0xc1: {  	v3 =	vand.u32 $0x7, v3;
	v4 =	vand.u32 $0xFFFFFFF0, v63  }
0xc2: {  	v3 =	vor.u32 v3, v4  }
0xc3: {  	v4 =	vperm.xlane v3, v0;
	_ =	sdelay $0x1  }
0xc4: {  	v3 =	vperm.xlane v3, v2;
	v4 =	vadd.s32 v1, v4;
	_ =	sdelay $0x1  }
0xc5: {  	v3 =	vadd.s32 v1, v3;
	_ =	sdelay $0x2  }
0xc6: {  	[tilespmem:s29], [sflag:$0x2] =	stream.indirect_vreg.gather [hbm4b:s1+s3], $0x80, v4, vm0, $0xb8;
	[tilespmem:$0x10100] =	vst v63  }
0xc7: {  	_ = 	snop  }
0xc8: {  	[tilespmem:s30], [sflag:$0x2] =	stream.indirect_vreg.gather [hbm4b:s1+s3], $0x80, v3, vm0, $0xb8;
	[tilespmem:$0x10100] =	vst v63  }
0xc9: {  	_ =	swait.ge [sflag:s31], $0x8000  }
0xca: {  	[sflag:s31] =	ssyncset.done $0x0  }
0xcb: {  	s7 =	rddreg [dreg:$0x6];
	[sflag:s31] =	ssyncadd.s32 $0xFFFF8000  }
0xcc: {  	[hbm4b:s7+s3] =	stream.linear.scatter [tilespmem:s6], [sflag:$0x1], $0x8000, $0x38;
	[tilespmem:$0x10100] =	vst v63  }
0xcd: {  	_ =	swait.ge [sflag:s0], $0x8000  }
0xce: {  	[sflag:s0] =	ssyncset.done $0x0  }
0xcf: {  	s7 =	rddreg [dreg:$0x7];
	[sflag:s0] =	ssyncadd.s32 $0xFFFF8000  }
0xd0: {  	[hbm4b:s7+s3] =	stream.linear.scatter [tilespmem:s14], [sflag:$0x2], $0x8000, $0x38;
	[tilespmem:$0x10100] =	vst v63  }
0xd1: {  	p0 =	sne.s32 s4, $0x1;
	_ =	swait.ge [sflag:s31], $0x8000  }
.Ltmp0:
0xd2: {  	[sflag:s31] =	ssyncset.done $0x0;
	(pc) =	sbr.rel @p0 .LBB2_1-.Ltmp0, $4  }
0xd3: {  	[sflag:s31] =	ssyncadd.s32 $0xFFFF8000  }
0xd4: {  	_ =	swait.ge [sflag:s0], $0x8000  }
0xd5: {  	[sflag:s0] =	ssyncset.done $0x0  }
0xd6: {  	s4 =	sadd.s32 $0xFFFFFFFF, s4;
	[sflag:s0] =	ssyncadd.s32 $0xFFFF8000  }
0xd7: {  	_ =	sfence.sel $0x180000  }
0xd8: {  	[bflag:$0x0] =	sbarrier.arrive $0xFFFF  }
0xd9: {  	_ =	strace $0x90000047  }
0xda: {  	s0 =	stileid.u32;
	[bflag:$0x2] =	sbarrier.arrive $0xFFFF  }
0xdb: {  	p0 =	sne.s32 s0, $0x0;
	s0 =	rddreg [dreg:$0x3]  }
0xdc: {  	s0 =	sadd.s32 @!p0 $0x100000, s0  }
0xdd: {  	[sflag:s0] =	ssyncadd.tile.s32 @!p0 $0x1;
	_ =	shalt  }
.Lfunc_end2:
_tile_overlayer_lowered:
.L_overlay_start_2:
0xde: {  	(tag) =	ssettag $0x2  }
0xdf: {  	s0 =	rddreg [dreg:$0x0];
	s2 =	stileid.u32  }
0xe0: {  	s1 =	rddreg [dreg:$0x1];
	p0 =	sne.s32 s2, $0x0  }
0xe1: {  	s3 =	rddreg [dreg:$0x2];
	[bflag:$0x3] =	sbarrier.arrive $0xFFFF;
	s2 =	simm.s32 @!p0 $0x1C03  }
0xe2: {  	[timem:s3], [sflag:s2] =	dma.local @!p0 [hbm:s0], s1  }
0xe3: {  	s0 =	simm.s32 @!p0 $0x3  }
0xe4: {  	_ =	swait.ge @!p0 [sflag:s0], s1  }
0xe5: {  	s1 =	ssub.s32 @!p0 $0x0, s1;
	[sflag:s0] =	ssyncset.done @!p0 $0x0  }
0xe6: {  	[sflag:s0] =	ssyncadd.s32 @!p0 s1  }
0xe7: {  	[bflag:$0x3] =	sbarrier.arrive $0xFFFF  }
0xe8: {  	_ =	shalt  }

</sc_bundles>
